<compile_context>
chip_gen: v7x
topology: tpu7x:2x2x1
jax: 0.10.2.dev20260603
libtpu: 0.0.44.dev20260713+nightly
codegen_flags: <defaults>
</compile_context>

<pallas_src>
import jax
import jax.numpy as jnp
from jax import lax
from jax.experimental import pallas as pl
from jax.experimental.pallas import tpu as pltpu
from jax.experimental.pallas import tpu_sc as plsc

VOCAB = 32
N_D = 128
BATCH = 4096
HIST = 200

NC = 2
NS = 16
NW = NC * NS
N = BATCH * HIST
PER_W = N // NW
G = 128
CHUNK = 256
NG = CHUNK // G
NCHUNK = PER_W // CHUNK


def _emb_body(idx_hbm, table_hbm, out_hbm, idx_v, table_v, rows_v, gsem, wsem):
    wid = lax.axis_index("s") * NC + lax.axis_index("c")
    base = wid * PER_W

    @pl.when(lax.axis_index("s") == 0)
    def _stage_table():
        pltpu.sync_copy(table_hbm, table_v)

    pltpu.sync_copy(idx_hbm.at[pl.ds(base, PER_W)], idx_v)
    plsc.subcore_barrier()

    def fire_gather(i, buf):
        for g in range(NG):
            pltpu.async_copy(
                table_v.at[idx_v.at[pl.ds(i * CHUNK + g * G, G)]],
                rows_v.at[buf, pl.ds(g * G, G)],
                gsem,
            )

    def wait_gather(i, buf):
        for g in range(NG):
            pltpu.make_async_copy(
                table_v.at[idx_v.at[pl.ds(i * CHUNK + g * G, G)]],
                rows_v.at[buf, pl.ds(g * G, G)],
                gsem,
            ).wait()

    def fire_wb(i, buf):
        pltpu.async_copy(
            rows_v.at[buf], out_hbm.at[pl.ds(base + i * CHUNK, CHUNK)], wsem
        )

    def wait_wb(i, buf):
        pltpu.make_async_copy(
            rows_v.at[buf], out_hbm.at[pl.ds(base + i * CHUNK, CHUNK)], wsem
        ).wait()

    fire_gather(0, 0)
    wait_gather(0, 0)
    fire_gather(1, 1)
    fire_wb(0, 0)

    def chunk_body(i, carry):
        buf = lax.rem(i, 2)
        wait_gather(i, buf)
        wait_wb(i - 1, 1 - buf)
        fire_gather(i + 1, 1 - buf)
        fire_wb(i, buf)
        return carry

    lax.fori_loop(1, NCHUNK - 1, chunk_body, 0)

    last = NCHUNK - 1
    lbuf = last % 2
    wait_gather(last, lbuf)
    wait_wb(last - 1, 1 - lbuf)
    fire_wb(last, lbuf)
    wait_wb(last, lbuf)


@jax.jit
def kernel(input_, weight):
    idx = input_.reshape(N)
    mesh = plsc.VectorSubcoreMesh(core_axis_name="c", subcore_axis_name="s")
    out = pl.kernel(
        _emb_body,
        out_type=jax.ShapeDtypeStruct((N, N_D), jnp.float32),
        mesh=mesh,
        scratch_types=[
            pltpu.VMEM((PER_W,), jnp.int32),
            pltpu.VMEM_SHARED((VOCAB, N_D), jnp.float32),
            pltpu.VMEM((2, CHUNK, N_D), jnp.float32),
            pltpu.SemaphoreType.DMA,
            pltpu.SemaphoreType.DMA,
        ],
    )(idx, weight)
    return out.reshape(BATCH, HIST, N_D)

# --- scband reference (transcript-rebuilt; emitter-appended) ---
"""Pipeline reference for scband-embedding-layer-32160715112504 (READ-ONLY COPY).

The authoritative reference and input builder live on the scoring server;
editing this copy changes nothing except your own understanding.
"""

import jax, jax.numpy as jnp
import numpy as np

VOCAB = 32
N_D = 128
BATCH = 4096
HIST = 200


def setup_inputs(seed: int = 0) -> dict:
    key = jax.random.key(seed)
    k_idx, k_tab = jax.random.split(key)
    # indices into the embedding table (int32 used for jax-on-CPU friendliness; values < VOCAB)
    input_ = jax.random.randint(k_idx, (BATCH, HIST), 0, VOCAB, dtype=jnp.int32)
    # Embedding table init matches torch module: uniform_(-0.25, 0.25) over the whole table
    # (padding row is overwritten by uniform_ in the original code), then L2 row-normalize.
    weight = jax.random.uniform(k_tab, (VOCAB, N_D), minval=-0.25, maxval=0.25, dtype=jnp.float32)
    norms = jnp.linalg.norm(weight, axis=1, keepdims=True)
    weight = weight / norms
    return {"input_": input_, "weight": weight}


def reference(input_, weight):
    # torch.nn.Embedding forward == row gather from the weight table
    return jnp.take(weight, input_, axis=0)

if __name__ == "__main__":
    import jax
    _d = setup_inputs()
    print(jax.jit(kernel)(*tuple(_d.values())))

</pallas_src>

<mosaic_0001>
#map = affine_map<(d0, d1) -> (0)>
#map1 = affine_map<(d0, d1) -> (0, 0)>
module attributes {stable_mosaic.version = 14 : i64} {
  func.func @_emb_body(%arg0: i32, %arg1: i32, %arg2: memref<819200xi32, #tpu.memory_space<hbm>>, %arg3: memref<32x128xf32, #tpu.memory_space<hbm>>, %arg4: memref<819200x128xf32, #tpu.memory_space<hbm>>, %arg5: memref<25600xi32, #tpu.memory_space<vmem>>, %arg6: memref<32x128xf32, #tpu.memory_space<vmem_shared>>, %arg7: memref<2x256x128xf32, #tpu.memory_space<vmem>>, %arg8: memref<!tpu.dma_semaphore, #tpu.memory_space<semaphore_mem>>, %arg9: memref<!tpu.dma_semaphore, #tpu.memory_space<semaphore_mem>>) attributes {dimension_semantics = [#tpu.dimension_semantics<core_parallel>, #tpu.dimension_semantics<subcore_parallel>], iteration_bounds = array<i64: 2, 16>, scalar_prefetch = 0 : i64, scratch_operands = 5 : i64, tpu.core_type = #tpu.core_type<sc_vector_subcore>, window_params = [{transform_indices = #map}, {transform_indices = #map1}, {transform_indices = #map1}]} {
    %mul3A = arith.constant 2 : i32
    %mul3A_0 = arith.muli %arg1, %mul3A : i32
    %add3A = arith.addi %mul3A_0, %arg0 : i32
    %mul3A_1 = arith.constant 25600 : i32
    %mul3A_2 = arith.muli %add3A, %mul3A_1 : i32
    %eq3A = arith.constant 0 : i32
    %eq3A_3 = arith.cmpi eq, %arg1, %eq3A : i32
    %convert_element_type3A = arith.extui %eq3A_3 : i1 to i32
    %cond3A = arith.constant 0 : i32
    %cond3A_4 = arith.cmpi ne, %convert_element_type3A, %cond3A : i32
    scf.if %cond3A_4 {
      "tpu.region"() ({
        %run_scoped3A = tpu.sem_alloc : memref<!tpu.dma_semaphore, #tpu.memory_space<semaphore_mem>>
        tpu.enqueue_dma source(%arg3 : memref<32x128xf32, #tpu.memory_space<hbm>>) target(%arg6 : memref<32x128xf32, #tpu.memory_space<vmem_shared>>) target_semaphore(%run_scoped3A : memref<!tpu.dma_semaphore, #tpu.memory_space<semaphore_mem>>)
        tpu.wait_dma2 semaphore(%run_scoped3A : memref<!tpu.dma_semaphore, #tpu.memory_space<semaphore_mem>>) src(%arg3 : memref<32x128xf32, #tpu.memory_space<hbm>>) dst(%arg6 : memref<32x128xf32, #tpu.memory_space<vmem_shared>>)
        tpu.yield
      }) : () -> ()
    } else {
    }
    "tpu.region"() ({
      %run_scoped3A = tpu.sem_alloc : memref<!tpu.dma_semaphore, #tpu.memory_space<semaphore_mem>>
      %dma_start3A_148 = tpu.memref_slice %arg2[%mul3A_2] : memref<819200xi32, #tpu.memory_space<hbm>> -> memref<25600xi32, #tpu.memory_space<hbm>>
      %dma_start3A_149 = tpu.memref_slice %arg2[%mul3A_2] : memref<819200xi32, #tpu.memory_space<hbm>> -> memref<25600xi32, #tpu.memory_space<hbm>>
      tpu.enqueue_dma source(%dma_start3A_149 : memref<25600xi32, #tpu.memory_space<hbm>>) target(%arg5 : memref<25600xi32, #tpu.memory_space<vmem>>) target_semaphore(%run_scoped3A : memref<!tpu.dma_semaphore, #tpu.memory_space<semaphore_mem>>)
      %dma_wait3A_150 = tpu.memref_slice %arg2[%mul3A_2] : memref<819200xi32, #tpu.memory_space<hbm>> -> memref<25600xi32, #tpu.memory_space<hbm>>
      %dma_wait3A_151 = tpu.memref_slice %arg2[%mul3A_2] : memref<819200xi32, #tpu.memory_space<hbm>> -> memref<25600xi32, #tpu.memory_space<hbm>>
      tpu.wait_dma2 semaphore(%run_scoped3A : memref<!tpu.dma_semaphore, #tpu.memory_space<semaphore_mem>>) src(%dma_wait3A_151 : memref<25600xi32, #tpu.memory_space<hbm>>) dst(%arg5 : memref<25600xi32, #tpu.memory_space<vmem>>)
      tpu.yield
    }) : () -> ()
    %barrier3A = arith.constant 0 : index
    tpu.barrier barrier_id(%barrier3A)
    %dma_start3A = arith.constant 0 : i32
    %dma_start3A_5 = arith.constant 0 : i32
    %dma_start3A_6 = arith.constant 0 : i32
    %dma_start3A_7 = tpu.memref_slice %arg7[%dma_start3A, %dma_start3A_5, %dma_start3A_6] : memref<2x256x128xf32, #tpu.memory_space<vmem>> -> memref<1x128x128xf32, #tpu.memory_space<vmem>>
    %dma_start3A_8 = tpu.memref_squeeze %dma_start3A_7 : memref<1x128x128xf32, #tpu.memory_space<vmem>> -> memref<128x128xf32, #tpu.memory_space<vmem>>
    %dma_start3A_9 = arith.constant 0 : i32
    %dma_start3A_10 = tpu.memref_slice %arg5[%dma_start3A_9] : memref<25600xi32, #tpu.memory_space<vmem>> -> memref<128xi32, #tpu.memory_space<vmem>>
    %dma_start3A_11 = arith.constant 0 : i32
    %dma_start3A_12 = arith.constant 0 : i32
    %dma_start3A_13 = tpu.memref_slice %arg6[%dma_start3A_11, %dma_start3A_12] : memref<32x128xf32, #tpu.memory_space<vmem_shared>> -> memref<32x128xf32, #tpu.memory_space<vmem_shared>>
    tpu.enqueue_indirect_dma source(%dma_start3A_13 : memref<32x128xf32, #tpu.memory_space<vmem_shared>>) target(%dma_start3A_8 : memref<128x128xf32, #tpu.memory_space<vmem>>) offsets(%dma_start3A_10 : memref<128xi32, #tpu.memory_space<vmem>>) semaphore(%arg8 : memref<!tpu.dma_semaphore, #tpu.memory_space<semaphore_mem>>)
    %dma_start3A_14 = arith.constant 0 : i32
    %dma_start3A_15 = arith.constant 128 : i32
    %dma_start3A_16 = arith.constant 0 : i32
    %dma_start3A_17 = tpu.memref_slice %arg7[%dma_start3A_14, %dma_start3A_15, %dma_start3A_16] : memref<2x256x128xf32, #tpu.memory_space<vmem>> -> memref<1x128x128xf32, #tpu.memory_space<vmem>>
    %dma_start3A_18 = tpu.memref_squeeze %dma_start3A_17 : memref<1x128x128xf32, #tpu.memory_space<vmem>> -> memref<128x128xf32, #tpu.memory_space<vmem>>
    %dma_start3A_19 = arith.constant 128 : i32
    %dma_start3A_20 = tpu.memref_slice %arg5[%dma_start3A_19] : memref<25600xi32, #tpu.memory_space<vmem>> -> memref<128xi32, #tpu.memory_space<vmem>>
    %dma_start3A_21 = arith.constant 0 : i32
    %dma_start3A_22 = arith.constant 0 : i32
    %dma_start3A_23 = tpu.memref_slice %arg6[%dma_start3A_21, %dma_start3A_22] : memref<32x128xf32, #tpu.memory_space<vmem_shared>> -> memref<32x128xf32, #tpu.memory_space<vmem_shared>>
    tpu.enqueue_indirect_dma source(%dma_start3A_23 : memref<32x128xf32, #tpu.memory_space<vmem_shared>>) target(%dma_start3A_18 : memref<128x128xf32, #tpu.memory_space<vmem>>) offsets(%dma_start3A_20 : memref<128xi32, #tpu.memory_space<vmem>>) semaphore(%arg8 : memref<!tpu.dma_semaphore, #tpu.memory_space<semaphore_mem>>)
    %dma_wait3A = arith.constant 0 : i32
    %dma_wait3A_24 = arith.constant 0 : i32
    %dma_wait3A_25 = arith.constant 0 : i32
    %dma_wait3A_26 = tpu.memref_slice %arg7[%dma_wait3A, %dma_wait3A_24, %dma_wait3A_25] : memref<2x256x128xf32, #tpu.memory_space<vmem>> -> memref<1x128x128xf32, #tpu.memory_space<vmem>>
    %dma_wait3A_27 = tpu.memref_squeeze %dma_wait3A_26 : memref<1x128x128xf32, #tpu.memory_space<vmem>> -> memref<128x128xf32, #tpu.memory_space<vmem>>
    %dma_wait3A_28 = arith.constant 0 : i32
    %dma_wait3A_29 = tpu.memref_slice %arg5[%dma_wait3A_28] : memref<25600xi32, #tpu.memory_space<vmem>> -> memref<128xi32, #tpu.memory_space<vmem>>
    %dma_wait3A_30 = arith.constant 0 : i32
    %dma_wait3A_31 = arith.constant 0 : i32
    %dma_wait3A_32 = tpu.memref_slice %arg6[%dma_wait3A_30, %dma_wait3A_31] : memref<32x128xf32, #tpu.memory_space<vmem_shared>> -> memref<32x128xf32, #tpu.memory_space<vmem_shared>>
    tpu.wait_indirect_dma semaphore(%arg8 : memref<!tpu.dma_semaphore, #tpu.memory_space<semaphore_mem>>) src(%dma_wait3A_32 : memref<32x128xf32, #tpu.memory_space<vmem_shared>>) dst(%dma_wait3A_27 : memref<128x128xf32, #tpu.memory_space<vmem>>)
    %dma_wait3A_33 = arith.constant 0 : i32
    %dma_wait3A_34 = arith.constant 128 : i32
    %dma_wait3A_35 = arith.constant 0 : i32
    %dma_wait3A_36 = tpu.memref_slice %arg7[%dma_wait3A_33, %dma_wait3A_34, %dma_wait3A_35] : memref<2x256x128xf32, #tpu.memory_space<vmem>> -> memref<1x128x128xf32, #tpu.memory_space<vmem>>
    %dma_wait3A_37 = tpu.memref_squeeze %dma_wait3A_36 : memref<1x128x128xf32, #tpu.memory_space<vmem>> -> memref<128x128xf32, #tpu.memory_space<vmem>>
    %dma_wait3A_38 = arith.constant 128 : i32
    %dma_wait3A_39 = tpu.memref_slice %arg5[%dma_wait3A_38] : memref<25600xi32, #tpu.memory_space<vmem>> -> memref<128xi32, #tpu.memory_space<vmem>>
    %dma_wait3A_40 = arith.constant 0 : i32
    %dma_wait3A_41 = arith.constant 0 : i32
    %dma_wait3A_42 = tpu.memref_slice %arg6[%dma_wait3A_40, %dma_wait3A_41] : memref<32x128xf32, #tpu.memory_space<vmem_shared>> -> memref<32x128xf32, #tpu.memory_space<vmem_shared>>
    tpu.wait_indirect_dma semaphore(%arg8 : memref<!tpu.dma_semaphore, #tpu.memory_space<semaphore_mem>>) src(%dma_wait3A_42 : memref<32x128xf32, #tpu.memory_space<vmem_shared>>) dst(%dma_wait3A_37 : memref<128x128xf32, #tpu.memory_space<vmem>>)
    %dma_start3A_43 = arith.constant 1 : i32
    %dma_start3A_44 = arith.constant 0 : i32
    %dma_start3A_45 = arith.constant 0 : i32
    %dma_start3A_46 = tpu.memref_slice %arg7[%dma_start3A_43, %dma_start3A_44, %dma_start3A_45] : memref<2x256x128xf32, #tpu.memory_space<vmem>> -> memref<1x128x128xf32, #tpu.memory_space<vmem>>
    %dma_start3A_47 = tpu.memref_squeeze %dma_start3A_46 : memref<1x128x128xf32, #tpu.memory_space<vmem>> -> memref<128x128xf32, #tpu.memory_space<vmem>>
    %dma_start3A_48 = arith.constant 256 : i32
    %dma_start3A_49 = tpu.memref_slice %arg5[%dma_start3A_48] : memref<25600xi32, #tpu.memory_space<vmem>> -> memref<128xi32, #tpu.memory_space<vmem>>
    %dma_start3A_50 = arith.constant 0 : i32
    %dma_start3A_51 = arith.constant 0 : i32
    %dma_start3A_52 = tpu.memref_slice %arg6[%dma_start3A_50, %dma_start3A_51] : memref<32x128xf32, #tpu.memory_space<vmem_shared>> -> memref<32x128xf32, #tpu.memory_space<vmem_shared>>
    tpu.enqueue_indirect_dma source(%dma_start3A_52 : memref<32x128xf32, #tpu.memory_space<vmem_shared>>) target(%dma_start3A_47 : memref<128x128xf32, #tpu.memory_space<vmem>>) offsets(%dma_start3A_49 : memref<128xi32, #tpu.memory_space<vmem>>) semaphore(%arg8 : memref<!tpu.dma_semaphore, #tpu.memory_space<semaphore_mem>>)
    %dma_start3A_53 = arith.constant 1 : i32
    %dma_start3A_54 = arith.constant 128 : i32
    %dma_start3A_55 = arith.constant 0 : i32
    %dma_start3A_56 = tpu.memref_slice %arg7[%dma_start3A_53, %dma_start3A_54, %dma_start3A_55] : memref<2x256x128xf32, #tpu.memory_space<vmem>> -> memref<1x128x128xf32, #tpu.memory_space<vmem>>
    %dma_start3A_57 = tpu.memref_squeeze %dma_start3A_56 : memref<1x128x128xf32, #tpu.memory_space<vmem>> -> memref<128x128xf32, #tpu.memory_space<vmem>>
    %dma_start3A_58 = arith.constant 384 : i32
    %dma_start3A_59 = tpu.memref_slice %arg5[%dma_start3A_58] : memref<25600xi32, #tpu.memory_space<vmem>> -> memref<128xi32, #tpu.memory_space<vmem>>
    %dma_start3A_60 = arith.constant 0 : i32
    %dma_start3A_61 = arith.constant 0 : i32
    %dma_start3A_62 = tpu.memref_slice %arg6[%dma_start3A_60, %dma_start3A_61] : memref<32x128xf32, #tpu.memory_space<vmem_shared>> -> memref<32x128xf32, #tpu.memory_space<vmem_shared>>
    tpu.enqueue_indirect_dma source(%dma_start3A_62 : memref<32x128xf32, #tpu.memory_space<vmem_shared>>) target(%dma_start3A_57 : memref<128x128xf32, #tpu.memory_space<vmem>>) offsets(%dma_start3A_59 : memref<128xi32, #tpu.memory_space<vmem>>) semaphore(%arg8 : memref<!tpu.dma_semaphore, #tpu.memory_space<semaphore_mem>>)
    %add3A_63 = arith.constant 0 : i32
    %add3A_64 = arith.addi %mul3A_2, %add3A_63 : i32
    %dma_start3A_65 = arith.constant 0 : i32
    %dma_start3A_66 = arith.constant 0 : i32
    %dma_start3A_67 = arith.constant 0 : i32
    %dma_start3A_68 = tpu.memref_slice %arg7[%dma_start3A_65, %dma_start3A_66, %dma_start3A_67] : memref<2x256x128xf32, #tpu.memory_space<vmem>> -> memref<1x256x128xf32, #tpu.memory_space<vmem>>
    %dma_start3A_69 = tpu.memref_squeeze %dma_start3A_68 : memref<1x256x128xf32, #tpu.memory_space<vmem>> -> memref<256x128xf32, #tpu.memory_space<vmem>>
    %dma_start3A_70 = arith.constant 0 : i32
    %dma_start3A_71 = tpu.memref_slice %arg4[%add3A_64, %dma_start3A_70] : memref<819200x128xf32, #tpu.memory_space<hbm>> -> memref<256x128xf32, #tpu.memory_space<hbm>>
    %dma_start3A_72 = arith.constant 0 : i32
    %dma_start3A_73 = tpu.memref_slice %arg4[%add3A_64, %dma_start3A_72] : memref<819200x128xf32, #tpu.memory_space<hbm>> -> memref<256x128xf32, #tpu.memory_space<hbm>>
    %dma_start3A_74 = arith.constant 0 : i32
    %dma_start3A_75 = arith.constant 0 : i32
    %dma_start3A_76 = tpu.memref_slice %arg7[%dma_start3A_65, %dma_start3A_74, %dma_start3A_75] : memref<2x256x128xf32, #tpu.memory_space<vmem>> -> memref<1x256x128xf32, #tpu.memory_space<vmem>>
    %dma_start3A_77 = tpu.memref_squeeze %dma_start3A_76 : memref<1x256x128xf32, #tpu.memory_space<vmem>> -> memref<256x128xf32, #tpu.memory_space<vmem>>
    tpu.enqueue_dma source(%dma_start3A_77 : memref<256x128xf32, #tpu.memory_space<vmem>>) target(%dma_start3A_73 : memref<256x128xf32, #tpu.memory_space<hbm>>) target_semaphore(%arg9 : memref<!tpu.dma_semaphore, #tpu.memory_space<semaphore_mem>>)
    %scan3A = arith.constant 0 : i32
    %scan3A_78 = arith.constant 1 : i32
    %scan3A_79 = arith.constant 98 : i32
    %scan3A_80 = arith.addi %scan3A_78, %scan3A_79 : i32
    %scan3A_81 = arith.constant 1 : i32
    scf.for %scan3A_148 = %scan3A_78 to %scan3A_80 step %scan3A_81  : i32 {
      %rem3A = arith.constant 2 : i32
      %rem3A_149 = arith.remsi %scan3A_148, %rem3A : i32
      %mul3A_150 = arith.constant 256 : i32
      %mul3A_151 = arith.muli %scan3A_148, %mul3A_150 : i32
      %add3A_152 = arith.constant 0 : i32
      %add3A_153 = arith.addi %mul3A_151, %add3A_152 : i32
      %dma_wait3A_154 = arith.constant 0 : i32
      %dma_wait3A_155 = arith.constant 0 : i32
      %dma_wait3A_156 = tpu.memref_slice %arg7[%rem3A_149, %dma_wait3A_154, %dma_wait3A_155] : memref<2x256x128xf32, #tpu.memory_space<vmem>> -> memref<1x128x128xf32, #tpu.memory_space<vmem>>
      %dma_wait3A_157 = tpu.memref_squeeze %dma_wait3A_156 : memref<1x128x128xf32, #tpu.memory_space<vmem>> -> memref<128x128xf32, #tpu.memory_space<vmem>>
      %dma_wait3A_158 = tpu.memref_slice %arg5[%add3A_153] : memref<25600xi32, #tpu.memory_space<vmem>> -> memref<128xi32, #tpu.memory_space<vmem>>
      %dma_wait3A_159 = arith.constant 0 : i32
      %dma_wait3A_160 = arith.constant 0 : i32
      %dma_wait3A_161 = tpu.memref_slice %arg6[%dma_wait3A_159, %dma_wait3A_160] : memref<32x128xf32, #tpu.memory_space<vmem_shared>> -> memref<32x128xf32, #tpu.memory_space<vmem_shared>>
      tpu.wait_indirect_dma semaphore(%arg8 : memref<!tpu.dma_semaphore, #tpu.memory_space<semaphore_mem>>) src(%dma_wait3A_161 : memref<32x128xf32, #tpu.memory_space<vmem_shared>>) dst(%dma_wait3A_157 : memref<128x128xf32, #tpu.memory_space<vmem>>)
      %mul3A_162 = arith.constant 256 : i32
      %mul3A_163 = arith.muli %scan3A_148, %mul3A_162 : i32
      %add3A_164 = arith.constant 128 : i32
      %add3A_165 = arith.addi %mul3A_163, %add3A_164 : i32
      %dma_wait3A_166 = arith.constant 128 : i32
      %dma_wait3A_167 = arith.constant 0 : i32
      %dma_wait3A_168 = tpu.memref_slice %arg7[%rem3A_149, %dma_wait3A_166, %dma_wait3A_167] : memref<2x256x128xf32, #tpu.memory_space<vmem>> -> memref<1x128x128xf32, #tpu.memory_space<vmem>>
      %dma_wait3A_169 = tpu.memref_squeeze %dma_wait3A_168 : memref<1x128x128xf32, #tpu.memory_space<vmem>> -> memref<128x128xf32, #tpu.memory_space<vmem>>
      %dma_wait3A_170 = tpu.memref_slice %arg5[%add3A_165] : memref<25600xi32, #tpu.memory_space<vmem>> -> memref<128xi32, #tpu.memory_space<vmem>>
      %dma_wait3A_171 = arith.constant 0 : i32
      %dma_wait3A_172 = arith.constant 0 : i32
      %dma_wait3A_173 = tpu.memref_slice %arg6[%dma_wait3A_171, %dma_wait3A_172] : memref<32x128xf32, #tpu.memory_space<vmem_shared>> -> memref<32x128xf32, #tpu.memory_space<vmem_shared>>
      tpu.wait_indirect_dma semaphore(%arg8 : memref<!tpu.dma_semaphore, #tpu.memory_space<semaphore_mem>>) src(%dma_wait3A_173 : memref<32x128xf32, #tpu.memory_space<vmem_shared>>) dst(%dma_wait3A_169 : memref<128x128xf32, #tpu.memory_space<vmem>>)
      %sub3A = arith.constant 1 : i32
      %sub3A_174 = arith.subi %scan3A_148, %sub3A : i32
      %sub3A_175 = arith.constant 1 : i32
      %sub3A_176 = arith.subi %sub3A_175, %rem3A_149 : i32
      %mul3A_177 = arith.constant 256 : i32
      %mul3A_178 = arith.muli %sub3A_174, %mul3A_177 : i32
      %add3A_179 = arith.addi %mul3A_2, %mul3A_178 : i32
      %dma_wait3A_180 = arith.constant 0 : i32
      %dma_wait3A_181 = arith.constant 0 : i32
      %dma_wait3A_182 = tpu.memref_slice %arg7[%sub3A_176, %dma_wait3A_180, %dma_wait3A_181] : memref<2x256x128xf32, #tpu.memory_space<vmem>> -> memref<1x256x128xf32, #tpu.memory_space<vmem>>
      %dma_wait3A_183 = tpu.memref_squeeze %dma_wait3A_182 : memref<1x256x128xf32, #tpu.memory_space<vmem>> -> memref<256x128xf32, #tpu.memory_space<vmem>>
      %dma_wait3A_184 = arith.constant 0 : i32
      %dma_wait3A_185 = tpu.memref_slice %arg4[%add3A_179, %dma_wait3A_184] : memref<819200x128xf32, #tpu.memory_space<hbm>> -> memref<256x128xf32, #tpu.memory_space<hbm>>
      %dma_wait3A_186 = arith.constant 0 : i32
      %dma_wait3A_187 = tpu.memref_slice %arg4[%add3A_179, %dma_wait3A_186] : memref<819200x128xf32, #tpu.memory_space<hbm>> -> memref<256x128xf32, #tpu.memory_space<hbm>>
      %dma_wait3A_188 = arith.constant 0 : i32
      %dma_wait3A_189 = arith.constant 0 : i32
      %dma_wait3A_190 = tpu.memref_slice %arg7[%sub3A_176, %dma_wait3A_188, %dma_wait3A_189] : memref<2x256x128xf32, #tpu.memory_space<vmem>> -> memref<1x256x128xf32, #tpu.memory_space<vmem>>
      %dma_wait3A_191 = tpu.memref_squeeze %dma_wait3A_190 : memref<1x256x128xf32, #tpu.memory_space<vmem>> -> memref<256x128xf32, #tpu.memory_space<vmem>>
      tpu.wait_dma2 semaphore(%arg9 : memref<!tpu.dma_semaphore, #tpu.memory_space<semaphore_mem>>) src(%dma_wait3A_191 : memref<256x128xf32, #tpu.memory_space<vmem>>) dst(%dma_wait3A_187 : memref<256x128xf32, #tpu.memory_space<hbm>>)
      %add3A_192 = arith.constant 1 : i32
      %add3A_193 = arith.addi %scan3A_148, %add3A_192 : i32
      %sub3A_194 = arith.constant 1 : i32
      %sub3A_195 = arith.subi %sub3A_194, %rem3A_149 : i32
      %mul3A_196 = arith.constant 256 : i32
      %mul3A_197 = arith.muli %add3A_193, %mul3A_196 : i32
      %add3A_198 = arith.constant 0 : i32
      %add3A_199 = arith.addi %mul3A_197, %add3A_198 : i32
      %dma_start3A_200 = arith.constant 0 : i32
      %dma_start3A_201 = arith.constant 0 : i32
      %dma_start3A_202 = tpu.memref_slice %arg7[%sub3A_195, %dma_start3A_200, %dma_start3A_201] : memref<2x256x128xf32, #tpu.memory_space<vmem>> -> memref<1x128x128xf32, #tpu.memory_space<vmem>>
      %dma_start3A_203 = tpu.memref_squeeze %dma_start3A_202 : memref<1x128x128xf32, #tpu.memory_space<vmem>> -> memref<128x128xf32, #tpu.memory_space<vmem>>
      %dma_start3A_204 = tpu.memref_slice %arg5[%add3A_199] : memref<25600xi32, #tpu.memory_space<vmem>> -> memref<128xi32, #tpu.memory_space<vmem>>
      %dma_start3A_205 = arith.constant 0 : i32
      %dma_start3A_206 = arith.constant 0 : i32
      %dma_start3A_207 = tpu.memref_slice %arg6[%dma_start3A_205, %dma_start3A_206] : memref<32x128xf32, #tpu.memory_space<vmem_shared>> -> memref<32x128xf32, #tpu.memory_space<vmem_shared>>
      tpu.enqueue_indirect_dma source(%dma_start3A_207 : memref<32x128xf32, #tpu.memory_space<vmem_shared>>) target(%dma_start3A_203 : memref<128x128xf32, #tpu.memory_space<vmem>>) offsets(%dma_start3A_204 : memref<128xi32, #tpu.memory_space<vmem>>) semaphore(%arg8 : memref<!tpu.dma_semaphore, #tpu.memory_space<semaphore_mem>>)
      %mul3A_208 = arith.constant 256 : i32
      %mul3A_209 = arith.muli %add3A_193, %mul3A_208 : i32
      %add3A_210 = arith.constant 128 : i32
      %add3A_211 = arith.addi %mul3A_209, %add3A_210 : i32
      %dma_start3A_212 = arith.constant 128 : i32
      %dma_start3A_213 = arith.constant 0 : i32
      %dma_start3A_214 = tpu.memref_slice %arg7[%sub3A_195, %dma_start3A_212, %dma_start3A_213] : memref<2x256x128xf32, #tpu.memory_space<vmem>> -> memref<1x128x128xf32, #tpu.memory_space<vmem>>
      %dma_start3A_215 = tpu.memref_squeeze %dma_start3A_214 : memref<1x128x128xf32, #tpu.memory_space<vmem>> -> memref<128x128xf32, #tpu.memory_space<vmem>>
      %dma_start3A_216 = tpu.memref_slice %arg5[%add3A_211] : memref<25600xi32, #tpu.memory_space<vmem>> -> memref<128xi32, #tpu.memory_space<vmem>>
      %dma_start3A_217 = arith.constant 0 : i32
      %dma_start3A_218 = arith.constant 0 : i32
      %dma_start3A_219 = tpu.memref_slice %arg6[%dma_start3A_217, %dma_start3A_218] : memref<32x128xf32, #tpu.memory_space<vmem_shared>> -> memref<32x128xf32, #tpu.memory_space<vmem_shared>>
      tpu.enqueue_indirect_dma source(%dma_start3A_219 : memref<32x128xf32, #tpu.memory_space<vmem_shared>>) target(%dma_start3A_215 : memref<128x128xf32, #tpu.memory_space<vmem>>) offsets(%dma_start3A_216 : memref<128xi32, #tpu.memory_space<vmem>>) semaphore(%arg8 : memref<!tpu.dma_semaphore, #tpu.memory_space<semaphore_mem>>)
      %mul3A_220 = arith.constant 256 : i32
      %mul3A_221 = arith.muli %scan3A_148, %mul3A_220 : i32
      %add3A_222 = arith.addi %mul3A_2, %mul3A_221 : i32
      %dma_start3A_223 = arith.constant 0 : i32
      %dma_start3A_224 = arith.constant 0 : i32
      %dma_start3A_225 = tpu.memref_slice %arg7[%rem3A_149, %dma_start3A_223, %dma_start3A_224] : memref<2x256x128xf32, #tpu.memory_space<vmem>> -> memref<1x256x128xf32, #tpu.memory_space<vmem>>
      %dma_start3A_226 = tpu.memref_squeeze %dma_start3A_225 : memref<1x256x128xf32, #tpu.memory_space<vmem>> -> memref<256x128xf32, #tpu.memory_space<vmem>>
      %dma_start3A_227 = arith.constant 0 : i32
      %dma_start3A_228 = tpu.memref_slice %arg4[%add3A_222, %dma_start3A_227] : memref<819200x128xf32, #tpu.memory_space<hbm>> -> memref<256x128xf32, #tpu.memory_space<hbm>>
      %dma_start3A_229 = arith.constant 0 : i32
      %dma_start3A_230 = tpu.memref_slice %arg4[%add3A_222, %dma_start3A_229] : memref<819200x128xf32, #tpu.memory_space<hbm>> -> memref<256x128xf32, #tpu.memory_space<hbm>>
      %dma_start3A_231 = arith.constant 0 : i32
      %dma_start3A_232 = arith.constant 0 : i32
      %dma_start3A_233 = tpu.memref_slice %arg7[%rem3A_149, %dma_start3A_231, %dma_start3A_232] : memref<2x256x128xf32, #tpu.memory_space<vmem>> -> memref<1x256x128xf32, #tpu.memory_space<vmem>>
      %dma_start3A_234 = tpu.memref_squeeze %dma_start3A_233 : memref<1x256x128xf32, #tpu.memory_space<vmem>> -> memref<256x128xf32, #tpu.memory_space<vmem>>
      tpu.enqueue_dma source(%dma_start3A_234 : memref<256x128xf32, #tpu.memory_space<vmem>>) target(%dma_start3A_230 : memref<256x128xf32, #tpu.memory_space<hbm>>) target_semaphore(%arg9 : memref<!tpu.dma_semaphore, #tpu.memory_space<semaphore_mem>>)
    }
    %scan3A_82 = arith.constant 98 : i32
    %dma_wait3A_83 = arith.constant 1 : i32
    %dma_wait3A_84 = arith.constant 0 : i32
    %dma_wait3A_85 = arith.constant 0 : i32
    %dma_wait3A_86 = tpu.memref_slice %arg7[%dma_wait3A_83, %dma_wait3A_84, %dma_wait3A_85] : memref<2x256x128xf32, #tpu.memory_space<vmem>> -> memref<1x128x128xf32, #tpu.memory_space<vmem>>
    %dma_wait3A_87 = tpu.memref_squeeze %dma_wait3A_86 : memref<1x128x128xf32, #tpu.memory_space<vmem>> -> memref<128x128xf32, #tpu.memory_space<vmem>>
    %dma_wait3A_88 = arith.constant 25344 : i32
    %dma_wait3A_89 = tpu.memref_slice %arg5[%dma_wait3A_88] : memref<25600xi32, #tpu.memory_space<vmem>> -> memref<128xi32, #tpu.memory_space<vmem>>
    %dma_wait3A_90 = arith.constant 0 : i32
    %dma_wait3A_91 = arith.constant 0 : i32
    %dma_wait3A_92 = tpu.memref_slice %arg6[%dma_wait3A_90, %dma_wait3A_91] : memref<32x128xf32, #tpu.memory_space<vmem_shared>> -> memref<32x128xf32, #tpu.memory_space<vmem_shared>>
    tpu.wait_indirect_dma semaphore(%arg8 : memref<!tpu.dma_semaphore, #tpu.memory_space<semaphore_mem>>) src(%dma_wait3A_92 : memref<32x128xf32, #tpu.memory_space<vmem_shared>>) dst(%dma_wait3A_87 : memref<128x128xf32, #tpu.memory_space<vmem>>)
    %dma_wait3A_93 = arith.constant 1 : i32
    %dma_wait3A_94 = arith.constant 128 : i32
    %dma_wait3A_95 = arith.constant 0 : i32
    %dma_wait3A_96 = tpu.memref_slice %arg7[%dma_wait3A_93, %dma_wait3A_94, %dma_wait3A_95] : memref<2x256x128xf32, #tpu.memory_space<vmem>> -> memref<1x128x128xf32, #tpu.memory_space<vmem>>
    %dma_wait3A_97 = tpu.memref_squeeze %dma_wait3A_96 : memref<1x128x128xf32, #tpu.memory_space<vmem>> -> memref<128x128xf32, #tpu.memory_space<vmem>>
    %dma_wait3A_98 = arith.constant 25472 : i32
    %dma_wait3A_99 = tpu.memref_slice %arg5[%dma_wait3A_98] : memref<25600xi32, #tpu.memory_space<vmem>> -> memref<128xi32, #tpu.memory_space<vmem>>
    %dma_wait3A_100 = arith.constant 0 : i32
    %dma_wait3A_101 = arith.constant 0 : i32
    %dma_wait3A_102 = tpu.memref_slice %arg6[%dma_wait3A_100, %dma_wait3A_101] : memref<32x128xf32, #tpu.memory_space<vmem_shared>> -> memref<32x128xf32, #tpu.memory_space<vmem_shared>>
    tpu.wait_indirect_dma semaphore(%arg8 : memref<!tpu.dma_semaphore, #tpu.memory_space<semaphore_mem>>) src(%dma_wait3A_102 : memref<32x128xf32, #tpu.memory_space<vmem_shared>>) dst(%dma_wait3A_97 : memref<128x128xf32, #tpu.memory_space<vmem>>)
    %add3A_103 = arith.constant 25088 : i32
    %add3A_104 = arith.addi %mul3A_2, %add3A_103 : i32
    %dma_wait3A_105 = arith.constant 0 : i32
    %dma_wait3A_106 = arith.constant 0 : i32
    %dma_wait3A_107 = arith.constant 0 : i32
    %dma_wait3A_108 = tpu.memref_slice %arg7[%dma_wait3A_105, %dma_wait3A_106, %dma_wait3A_107] : memref<2x256x128xf32, #tpu.memory_space<vmem>> -> memref<1x256x128xf32, #tpu.memory_space<vmem>>
    %dma_wait3A_109 = tpu.memref_squeeze %dma_wait3A_108 : memref<1x256x128xf32, #tpu.memory_space<vmem>> -> memref<256x128xf32, #tpu.memory_space<vmem>>
    %dma_wait3A_110 = arith.constant 0 : i32
    %dma_wait3A_111 = tpu.memref_slice %arg4[%add3A_104, %dma_wait3A_110] : memref<819200x128xf32, #tpu.memory_space<hbm>> -> memref<256x128xf32, #tpu.memory_space<hbm>>
    %dma_wait3A_112 = arith.constant 0 : i32
    %dma_wait3A_113 = tpu.memref_slice %arg4[%add3A_104, %dma_wait3A_112] : memref<819200x128xf32, #tpu.memory_space<hbm>> -> memref<256x128xf32, #tpu.memory_space<hbm>>
    %dma_wait3A_114 = arith.constant 0 : i32
    %dma_wait3A_115 = arith.constant 0 : i32
    %dma_wait3A_116 = tpu.memref_slice %arg7[%dma_wait3A_105, %dma_wait3A_114, %dma_wait3A_115] : memref<2x256x128xf32, #tpu.memory_space<vmem>> -> memref<1x256x128xf32, #tpu.memory_space<vmem>>
    %dma_wait3A_117 = tpu.memref_squeeze %dma_wait3A_116 : memref<1x256x128xf32, #tpu.memory_space<vmem>> -> memref<256x128xf32, #tpu.memory_space<vmem>>
    tpu.wait_dma2 semaphore(%arg9 : memref<!tpu.dma_semaphore, #tpu.memory_space<semaphore_mem>>) src(%dma_wait3A_117 : memref<256x128xf32, #tpu.memory_space<vmem>>) dst(%dma_wait3A_113 : memref<256x128xf32, #tpu.memory_space<hbm>>)
    %add3A_118 = arith.constant 25344 : i32
    %add3A_119 = arith.addi %mul3A_2, %add3A_118 : i32
    %dma_start3A_120 = arith.constant 1 : i32
    %dma_start3A_121 = arith.constant 0 : i32
    %dma_start3A_122 = arith.constant 0 : i32
    %dma_start3A_123 = tpu.memref_slice %arg7[%dma_start3A_120, %dma_start3A_121, %dma_start3A_122] : memref<2x256x128xf32, #tpu.memory_space<vmem>> -> memref<1x256x128xf32, #tpu.memory_space<vmem>>
    %dma_start3A_124 = tpu.memref_squeeze %dma_start3A_123 : memref<1x256x128xf32, #tpu.memory_space<vmem>> -> memref<256x128xf32, #tpu.memory_space<vmem>>
    %dma_start3A_125 = arith.constant 0 : i32
    %dma_start3A_126 = tpu.memref_slice %arg4[%add3A_119, %dma_start3A_125] : memref<819200x128xf32, #tpu.memory_space<hbm>> -> memref<256x128xf32, #tpu.memory_space<hbm>>
    %dma_start3A_127 = arith.constant 0 : i32
    %dma_start3A_128 = tpu.memref_slice %arg4[%add3A_119, %dma_start3A_127] : memref<819200x128xf32, #tpu.memory_space<hbm>> -> memref<256x128xf32, #tpu.memory_space<hbm>>
    %dma_start3A_129 = arith.constant 0 : i32
    %dma_start3A_130 = arith.constant 0 : i32
    %dma_start3A_131 = tpu.memref_slice %arg7[%dma_start3A_120, %dma_start3A_129, %dma_start3A_130] : memref<2x256x128xf32, #tpu.memory_space<vmem>> -> memref<1x256x128xf32, #tpu.memory_space<vmem>>
    %dma_start3A_132 = tpu.memref_squeeze %dma_start3A_131 : memref<1x256x128xf32, #tpu.memory_space<vmem>> -> memref<256x128xf32, #tpu.memory_space<vmem>>
    tpu.enqueue_dma source(%dma_start3A_132 : memref<256x128xf32, #tpu.memory_space<vmem>>) target(%dma_start3A_128 : memref<256x128xf32, #tpu.memory_space<hbm>>) target_semaphore(%arg9 : memref<!tpu.dma_semaphore, #tpu.memory_space<semaphore_mem>>)
    %add3A_133 = arith.constant 25344 : i32
    %add3A_134 = arith.addi %mul3A_2, %add3A_133 : i32
    %dma_wait3A_135 = arith.constant 1 : i32
    %dma_wait3A_136 = arith.constant 0 : i32
    %dma_wait3A_137 = arith.constant 0 : i32
    %dma_wait3A_138 = tpu.memref_slice %arg7[%dma_wait3A_135, %dma_wait3A_136, %dma_wait3A_137] : memref<2x256x128xf32, #tpu.memory_space<vmem>> -> memref<1x256x128xf32, #tpu.memory_space<vmem>>
    %dma_wait3A_139 = tpu.memref_squeeze %dma_wait3A_138 : memref<1x256x128xf32, #tpu.memory_space<vmem>> -> memref<256x128xf32, #tpu.memory_space<vmem>>
    %dma_wait3A_140 = arith.constant 0 : i32
    %dma_wait3A_141 = tpu.memref_slice %arg4[%add3A_134, %dma_wait3A_140] : memref<819200x128xf32, #tpu.memory_space<hbm>> -> memref<256x128xf32, #tpu.memory_space<hbm>>
    %dma_wait3A_142 = arith.constant 0 : i32
    %dma_wait3A_143 = tpu.memref_slice %arg4[%add3A_134, %dma_wait3A_142] : memref<819200x128xf32, #tpu.memory_space<hbm>> -> memref<256x128xf32, #tpu.memory_space<hbm>>
    %dma_wait3A_144 = arith.constant 0 : i32
    %dma_wait3A_145 = arith.constant 0 : i32
    %dma_wait3A_146 = tpu.memref_slice %arg7[%dma_wait3A_135, %dma_wait3A_144, %dma_wait3A_145] : memref<2x256x128xf32, #tpu.memory_space<vmem>> -> memref<1x256x128xf32, #tpu.memory_space<vmem>>
    %dma_wait3A_147 = tpu.memref_squeeze %dma_wait3A_146 : memref<1x256x128xf32, #tpu.memory_space<vmem>> -> memref<256x128xf32, #tpu.memory_space<vmem>>
    tpu.wait_dma2 semaphore(%arg9 : memref<!tpu.dma_semaphore, #tpu.memory_space<semaphore_mem>>) src(%dma_wait3A_147 : memref<256x128xf32, #tpu.memory_space<vmem>>) dst(%dma_wait3A_143 : memref<256x128xf32, #tpu.memory_space<hbm>>)
    return
  }
}

</mosaic_0001>

<sc_bundles>
// kernel: kernel.3.cloned.1.call-start
scs
__scs_entry_jumppad:
0x0: {  	(pc) =	sbr.rel $0x88, $3  }
0x1: {  	(tag) =	ssettag $0x0;
	lr =	simm.s32 $0x1  }
0x2: {  	[smem:$0x3F9F] =	sst lr;
	_ =	strace $0xD0000000  }
0x3: {  	_ = 	snop  }
0x4: {  	_ = 	snop  }
0x5: {  	_ = 	snop  }
0x6: {  	_ = 	snop  }
0x7: {  	_ = 	snop  }
__scs_overlays_trampoline_lowered:
0x8: {  	[smem:$0x3FAE] =	sst s0  }
0x9: {  	[smem:$0x3FAF] =	sst s1  }
0xa: {  	[smem:$0x3FB0] =	sst s2  }
0xb: {  	[smem:$0x3FB1] =	sst s3  }
0xc: {  	[smem:$0x3FB2] =	sst s4  }
0xd: {  	[smem:$0x3FB3] =	sst s5  }
0xe: {  	[smem:$0x3FB4] =	sst s6  }
0xf: {  	[smem:$0x3FB5] =	sst s7  }
0x10: {  	[smem:$0x3FB6] =	sst s8  }
0x11: {  	[smem:$0x3FB7] =	sst s9;
	s0 =	simm.s32 @!p0 $0x0  }
0x12: {  	s1 =	sld [smem:$0x3F9D];
	s0 =	simm.s32 @p0 $0x1  }
0x13: {  	[smem:$0x3FB8] =	sst s0;
	s0 =	simm.s32 @!p1 $0x0  }
0x14: {  	s2 =	sld [smem:$0x3F9C];
	s0 =	simm.s32 @p1 $0x1  }
0x15: {  	[smem:$0x3FB9] =	sst s0;
	s0 =	simm.s32 @!p2 $0x0  }
0x16: {  	s3 =	sld [smem:$0x3FDB];
	s0 =	simm.s32 @p2 $0x1  }
0x17: {  	s4 =	simm.s32 $0x1BF5;
	[smem:$0x3FBB] =	sst s0  }
0x18: {  	s0 =	sld [smem:$0x3F9E];
	_ =	swait.ge [sflag:s4], $0x0  }
0x19: {  	s7 =	sld [smem:$0x3F9F]  }
0x1a: {  	s8 =	sadd.s32 $0xFFFFE003, lr  }
0x1b: {  	s9 =	sadd.s32 $0xFFFFFEF7, lr;
	s5 =	simm.s32 $0xFFFFFFFF;
	p2 =	slt.u32 s8, $0xFFFFF086  }
0x1c: {  	p1 =	slt.u32 s9, $0xF7A;
	s5 =	simm.s32 @!p2 $0x0  }
0x1d: {  	s5 =	simm.s32 @p1 $0x1;
	p0 =	seq.s32 s7, s2  }
0x1e: {  	s7 =	smul.u32 @!p0 $0xF7A, s2;
	p2 =	seq.s32 @!p0 s5, $0x0  }
0x1f: {  	s9 =	smul.u32 $0xF7A, s1;
	s8 =	simm.s32 @!p0 $0x1BF5;
	p2 =	por !p2, p0  }
0x20: {  	[sflag:s8] =	ssyncset.s32 @!p0 $0xFFFFF086;
	s6 =	sadd.s32 @!p0 s3, s7;
	s7 =	simm.s32 @!p0 $0x108  }
0x21: {  	s3 =	sadd.s32 s3, s9;
	s6 =	sadd.s32 @!p0 $0x88, s6;
	s7 =	simm.s32 @p2 $0x1082  }
0x22: {  	[simem:s7], [sflag:s8] =	dma.local @!p0 [hbm:s6], $0xF7A  }
0x23: {  	s9 =	sor.u32 $0xD0000000, s2;
	s6 =	simm.s32 $0x108;
	_ =	swait.ge @!p0 [sflag:s8], $0x0  }
0x24: {  	s3 =	sadd.s32 $0x88, s3;
	s6 =	simm.s32 @!p1 $0x1082;
	[sflag:s4] =	ssyncset.s32 $0xFFFFF086  }
0x25: {  	[simem:s6], [sflag:s4] =	dma.local [hbm:s3], $0xF7A  }
0x26: {  	[smem:$0x3F9F] =	sst s1;
	(tag) =	ssettag s2;
	_ =	strace s9  }
0x27: {  	s1 =	sld [smem:$0x3FAF]  }
0x28: {  	s2 =	sld [smem:$0x3FB0]  }
0x29: {  	s4 =	sld [smem:$0x3FB2]  }
0x2a: {  	p0 =	seq.s32 s5, $0x0;
	s5 =	sld [smem:$0x3FB3]  }
0x2b: {  	s6 =	sld [smem:$0x3FB4]  }
0x2c: {  	s7 =	sld [smem:$0x3FB5]  }
0x2d: {  	s3 =	simm.s32 $0x108;
	s8 =	sld [smem:$0x3FB6]  }
0x2e: {  	s3 =	simm.s32 @!p0 $0x1082;
	s9 =	sld [smem:$0x3FB7]  }
0x2f: {  	lr =	sadd.s32 s0, s3;
	s0 =	sld [smem:$0x3FAE]  }
0x30: {  	s3 =	sld [smem:$0x3FB1]  }
0x31: {  	[smem:$0x3FBA] =	sst s10  }
0x32: {  	s10 =	sld [smem:$0x3FB8];
	_ =	sdelay $0x3  }
0x33: {  	p0 =	seq.s32 s10, $0x1;
	s10 =	sld [smem:$0x3FBA];
	_ =	sdelay $0x3  }
0x34: {  	[smem:$0x3FBA] =	sst s10  }
0x35: {  	s10 =	sld [smem:$0x3FB9];
	_ =	sdelay $0x3  }
0x36: {  	p1 =	seq.s32 s10, $0x1;
	s10 =	sld [smem:$0x3FBA];
	_ =	sdelay $0x3  }
0x37: {  	[smem:$0x3FBA] =	sst s10  }
0x38: {  	s10 =	sld [smem:$0x3FBB]  }
0x39: {  	_ = 	snop;
	(pc) =	sbr.ind lr, $3  }
0x3a: {  	_ = 	snop  }
0x3b: {  	_ = 	snop  }
0x3c: {  	p2 =	seq.s32 s10, $0x1;
	s10 =	sld [smem:$0x3FBA]  }
0x3d: {  	_ =	shalt  }
0x3e: {  	_ =	shalt  }
0x3f: {  	_ =	shalt  }
0x40: {  	_ =	shalt  }
0x41: {  	_ =	shalt  }
0x42: {  	_ =	shalt  }
0x43: {  	_ =	shalt  }
0x44: {  	_ =	shalt  }
0x45: {  	_ =	shalt  }
0x46: {  	_ =	shalt  }
0x47: {  	_ =	shalt  }
0x48: {  	_ =	shalt  }
0x49: {  	_ =	shalt  }
0x4a: {  	_ =	shalt  }
0x4b: {  	_ =	shalt  }
0x4c: {  	_ =	shalt  }
0x4d: {  	_ =	shalt  }
0x4e: {  	_ =	shalt  }
0x4f: {  	_ =	shalt  }
0x50: {  	_ =	shalt  }
0x51: {  	_ =	shalt  }
0x52: {  	_ =	shalt  }
0x53: {  	_ =	shalt  }
0x54: {  	_ =	shalt  }
0x55: {  	_ =	shalt  }
0x56: {  	_ =	shalt  }
0x57: {  	_ =	shalt  }
0x58: {  	_ =	shalt  }
0x59: {  	_ =	shalt  }
0x5a: {  	_ =	shalt  }
0x5b: {  	_ =	shalt  }
0x5c: {  	_ =	shalt  }
0x5d: {  	_ =	shalt  }
0x5e: {  	_ =	shalt  }
0x5f: {  	_ =	shalt  }
0x60: {  	_ =	shalt  }
0x61: {  	_ =	shalt  }
0x62: {  	_ =	shalt  }
0x63: {  	_ =	shalt  }
0x64: {  	_ =	shalt  }
0x65: {  	_ =	shalt  }
0x66: {  	_ =	shalt  }
0x67: {  	_ =	shalt  }
0x68: {  	_ =	shalt  }
0x69: {  	_ =	shalt  }
0x6a: {  	_ =	shalt  }
0x6b: {  	_ =	shalt  }
0x6c: {  	_ =	shalt  }
0x6d: {  	_ =	shalt  }
0x6e: {  	_ =	shalt  }
0x6f: {  	_ =	shalt  }
0x70: {  	_ =	shalt  }
0x71: {  	_ =	shalt  }
0x72: {  	_ =	shalt  }
0x73: {  	_ =	shalt  }
0x74: {  	_ =	shalt  }
0x75: {  	_ =	shalt  }
0x76: {  	_ =	shalt  }
0x77: {  	_ =	shalt  }
0x78: {  	_ =	shalt  }
0x79: {  	_ =	shalt  }
0x7a: {  	_ =	shalt  }
0x7b: {  	_ =	shalt  }
0x7c: {  	_ =	shalt  }
0x7d: {  	_ =	shalt  }
0x7e: {  	_ =	shalt  }
0x7f: {  	_ =	shalt  }
0x80: {  	_ =	shalt  }
0x81: {  	_ =	shalt  }
0x82: {  	_ =	shalt  }
0x83: {  	_ =	shalt  }
0x84: {  	_ =	shalt  }
0x85: {  	_ =	shalt  }
0x86: {  	_ =	shalt  }
0x87: {  	_ =	shalt  }
.Lfunc_end0:
.L_simem_size_0:
called_computation_lowered:
.L_overlay_start_0:
0x88: {  	s2 =	sld [smem:$0x3FD9]  }
0x89: {  	s3 =	sld [smem:$0x3FFE];
	_ =	sdelay $0x1  }
0x8a: {  	s1 =	srdreg.scid  }
0x8b: {  	s0 =	sand.u32 $0x1, s1  }
0x8c: {  	s17 =	sshll.u32 s0, $0xA;
	s2 =	sadd.s32 s3, s2  }
0x8d: {  	s2 =	sadd.s32 s2, s17  }
0x8e: {  	[smem:$0x3FC6] =	sst s2  }
0x8f: {  	_ = 	snop  }
0x90: {  	s2 =	sld [smem:$0x3FC8]  }
0x91: {  	s18 =	sld [smem:$0x3FD0];
	(tm) =	ssettm $0x1  }
0x92: {  	s4 =	sld [smem:$0x3FFB];
	_ =	sdelay $0x3  }
0x93: {  	_ =	strace s4  }
0x94: {  	s4 =	sld [smem:$0x3FFC];
	_ =	sdelay $0x3  }
0x95: {  	_ =	strace s4  }
0x96: {  	s4 =	sld [smem:$0x3FFD];
	_ =	sdelay $0x3  }
0x97: {  	_ =	strace s4  }
0x98: {  	_ =	strace $0x8FFFFFFF  }
0x99: {  	s19 =	sld [smem:$0x3FDB];
	_ =	sdelay $0x1  }
0x9a: {  	s5 =	simm.s32 $_scs_section_size  }
0x9b: {  	s6 =	simm.s32 $_size__tile_overlayer_lowered;
	s7 =	simm.s32 $_tile_overlayer_lowered  }
0x9c: {  	s22 =	simm.s32 $0x1BFF;
	s21 =	sshll.u32 s7, $0x1;
	s4 =	sadd.s32 s5, s19  }
0x9d: {  	s8 =	simm.s32 $0x0;
	s20 =	sshll.u32 s6, $0x1;
	s6 =	sadd.s32 s21, s4  }
0x9e: {  	[timem:s8], [sflag:s22] =	dma.local [hbm:s6], s20  }
0x9f: {  	_ =	swait.ge [sflag:s22], s20  }
0xa0: {  	s5 =	ssub.s32 $0x0, s20;
	[sflag:s22] =	ssyncset.done $0x0  }
0xa1: {  	[sflag:s22] =	ssyncadd.s32 s5;
	_ =	sdelay $0x1  }
0xa2: {  	s23 =	simm.s32 $0x1B8B  }
0xa3: {  	_ =	swait.ge [sflag:s23], $0x1  }
0xa4: {  	[sflag:s23] =	ssyncset.done $0x0  }
0xa5: {  	s25 =	simm.s32 $0x1B8E;
	s24 =	sld [smem:$0x3FFE];
	[sflag:s23] =	ssyncadd.s32 $0xFFFFFFFF  }
0xa6: {  	s26 =	simm.s32 $execute0_lowered;
	[smem:$0x3FD2] =	sst s25  }
0xa7: {  	s6 =	sshll.u32 s26, $0x1;
	_ =	strace $0x80000046;
	[dreg:$0x1] =	wrdreg $0xFFFFFFFF  }
0xa8: {  	s28 =	simm.s32 $_size_execute0_lowered;
	s4 =	sadd.s32 s4, s6;
	[dreg:$0x0] =	wrdreg $0x0  }
0xa9: {  	s6 =	sshll.u32 s28, $0x1;
	[dreg:$0x2] =	wrdreg s4  }
0xaa: {  	[dreg:$0x3] =	wrdreg s6  }
0xab: {  	[dreg:$0x4] =	wrdreg $0xC0  }
0xac: {  	_ =	task [dreg:s8], $0x5FFFF  }
0xad: {  	[dreg:$0x1] =	wrdreg $0xFFFFFFFF  }
0xae: {  	[dreg:$0x0] =	wrdreg $0x60  }
0xaf: {  	[dreg:$0x2] =	wrdreg s24  }
0xb0: {  	[dreg:$0x3] =	wrdreg s2  }
0xb1: {  	[dreg:$0x4] =	wrdreg s18  }
0xb2: {  	[dreg:$0x5] =	wrdreg $0x64000  }
0xb3: {  	[dreg:$0x6] =	wrdreg $0x9  }
0xb4: {  	_ =	task.clear_ibuf [dreg:s8], $0x7FFFF;
	_ =	strace $0x90000046  }
0xb5: {  	s29 =	simm.s32 $0x9;
	_ =	strace $0x80000048  }
0xb6: {  	_ =	swait.ge [sflag:s29], $0x1  }
0xb7: {  	[sflag:s29] =	ssyncadd.s32 $0xFFFFFFFF  }
0xb8: {  	_ =	strace $0x90000048  }
0xb9: {  	_ =	sfence  }
0xba: {  	s30 =	sld [smem:$0x0];
	_ =	sdelay $0x2  }
0xbb: {  	s31 =	sshll.u32 s1, $0xD;
	s1 =	sshrl.u32 s1, $0x2  }
0xbc: {  	s3 =	sand.u32 $0x4000, s31;
	s1 =	sadd.s32 s1, s30  }
0xbd: {  	s0 =	sor.u32 s3, s0;
	s1 =	sshll.u32 s1, $0x11  }
0xbe: {  	s0 =	sor.u32 s1, s0  }
0xbf: {  	s0 =	sadd.s32 $0x8F2B, s0  }
0xc0: {  	[sflag:s0] =	ssyncadd.remote.s32 $0x1  }
0xc1: {  	_ =	sfence.sel $0xFFFF  }
0xc2: {  	[dreg:$0x0] =	wrdreg $0xFFFFFFFF;
	(pc) =	sbr.abs _section_cstart, $3  }
0xc3: {  	[dreg:$0x1] =	wrdreg $0xFFFFFFFF  }
0xc4: {  	_ =	task.clear_ibuf [dreg:s8], $0x2FFFF;
	_ =	strace $0x9FFFFFFF  }
0xc5: {  	(tm) =	ssettm $0x7FFFFFFF  }
tec
execute0_lowered:
.L_overlay_start_1:
0x0: {  	(tag) =	ssettag $0x1  }
0x1: {  	s4 =	rddreg [dreg:$0x0]  }
0x2: {  	s0 =	rddreg [dreg:$0x1]  }
0x3: {  	s1 =	srdreg.scid;
	s8 =	rddreg [dreg:$0x2]  }
0x4: {  	s9 =	stileid.u32;
	s2 =	rddreg [dreg:$0x3]  }
0x5: {  	s3 =	simm.s32 $0x0;
	s14 =	simm.s32 $0x100;
	s15 =	simm.s32 $0xE500  }
0x6: {  	s16 =	simm.s32 $0x180;
	s17 =	simm.s32 $0x12500;
	s18 =	simm.s32 $0x1  }
0x7: {  	s19 =	simm.s32 $0x2;
	s20 =	simm.s32 $0x0;
	s5 =	sand.u32 $0x1, s1  }
0x8: {  	s28 =	sshll.u32 s9, $0x1;
	s1 =	rddreg [dreg:$0x4];
	s12 =	smul.u32 $0x640000, s9  }
0x9: {  	s6 =	sor.u32 s5, s28;
	s11 =	ssub.s32 $0x2, s5;
	s5 =	smul.u32 $0x320000, s5  }
0xa: {  	[smem:$0x7FF] =	sst s3;
	p0 =	sne.s32 s9, $0x0;
	s7 =	smul.u32 $0xC80, s6  }
0xb: {  	_ =	strace $0x80000047;
	s10 =	smul.u32 $0x320000, s6;
	s13 =	sshrl.u32 s11, $0x1  }
0xc: {  	s9 =	sshrl.u32 @!p0 s2, $0x3;
	s6 =	smul.u32 $0x64000, s6;
	s29 =	ssub.s32 s11, s13  }
0xd: {  	s5 =	sadd.s32 s5, s12;
	s11 =	simm.s32 $0x80;
	s12 =	simm.s32 $0x6500  }
0xe: {  	s13 =	simm.s32 $0xA500;
	s4 =	sadd.s32 s7, s4;
	s10 =	sshrl.u32 s10, $0x3  }
0xf: {  	s30 =	sor.u32 $0x8000, s5;
	s5 =	sadd.s32 s8, s6;
	s7 =	smax.u32 s29, $0x1  }
0x10: {  	s4 =	sadd.s32 $0x400, s4;
	s10 =	sadd.s32 s8, s10;
	s31 =	sshrl.u32 s30, $0x3  }
0x11: {  	s6 =	sadd.s32 $0x63000, s10;
	s8 =	sadd.s32 s31, s8;
	s10 =	simm.s32 $0x3  }
.LBB2_1:
0x12: {  	s21 =	simm.s32 @!p0 $0x1C03  }
0x13: {  	[spmem:s9], [sflag:s21] =	dma.local @!p0 [hbm:s0], $0x200  }
0x14: {  	s21 =	simm.s32 @!p0 $0x3  }
0x15: {  	_ =	swait.ge @!p0 [sflag:s21], $0x200  }
0x16: {  	[sflag:s21] =	ssyncset.done @!p0 $0x0  }
0x17: {  	[sflag:s21] =	ssyncadd.s32 @!p0 $0xFFFFFE00  }
0x18: {  	[tilespmem:s3], [sflag:$0x3] =	stream.linear.gather [hbm4b:s4+s3], $0x6400, $0x38;
	[tilespmem:$0x16500] =	vst v63  }
0x19: {  	_ =	swait.ge [sflag:s10], $0x6400  }
0x1a: {  	[sflag:s10] =	ssyncset.done $0x0  }
0x1b: {  	[sflag:s10] =	ssyncadd.s32 $0xFFFF9C00  }
0x1c: {  	[bflag:$0x0] =	sbarrier.arrive $0xFFFF  }
0x1d: {  	[tilespmem:s12], [sflag:$0x1] =	stream.indirect.gather [spmem:s2], $0x80, s3, s11, $0xb8;
	[tilespmem:$0x16500] =	vst v63  }
0x1e: {  	_ = 	snop  }
0x1f: {  	[tilespmem:s13], [sflag:$0x1] =	stream.indirect.gather [spmem:s2], $0x80, s11, s11, $0xb8;
	[tilespmem:$0x16500] =	vst v63  }
0x20: {  	_ =	swait.ge [sflag:s18], $0x4000  }
0x21: {  	[sflag:s18] =	ssyncset.done $0x0  }
0x22: {  	[sflag:s18] =	ssyncadd.s32 $0xFFFFC000  }
0x23: {  	_ =	swait.ge [sflag:s18], $0x4000  }
0x24: {  	[sflag:s18] =	ssyncset.done $0x0  }
0x25: {  	[sflag:s18] =	ssyncadd.s32 $0xFFFFC000  }
0x26: {  	[tilespmem:s15], [sflag:$0x1] =	stream.indirect.gather [spmem:s2], $0x80, s14, s11, $0xb8;
	[tilespmem:$0x16500] =	vst v63  }
0x27: {  	_ = 	snop  }
0x28: {  	[tilespmem:s17], [sflag:$0x1] =	stream.indirect.gather [spmem:s2], $0x80, s16, s11, $0xb8;
	[tilespmem:$0x16500] =	vst v63  }
0x29: {  	_ = 	snop  }
0x2a: {  	[hbm4b:s5+s3] =	stream.linear.scatter [tilespmem:s12], [sflag:$0x2], $0x8000, $0x38;
	[tilespmem:$0x16500] =	vst v63  }
0x2b: {  	_ =	swait.ge [sflag:s18], $0x4000  }
0x2c: {  	[sflag:s18] =	ssyncset.done $0x0  }
0x2d: {  	[sflag:s18] =	ssyncadd.s32 $0xFFFFC000  }
0x2e: {  	_ =	swait.ge [sflag:s18], $0x4000  }
0x2f: {  	[sflag:s18] =	ssyncset.done $0x0  }
0x30: {  	s28 =	simm.s32 $0x8000;
	s29 =	simm.s32 $0x200;
	[sflag:s18] =	ssyncadd.s32 $0xFFFFC000  }
0x31: {  	s31 =	simm.s32 $0x280;
	s22 =	sand.u32 $0x8000, s28;
	_ =	swait.ge [sflag:s19], $0x8000  }
0x32: {  	s24 =	smov.u32 s8;
	s23 =	sxor.u32 $0xE500, s22;
	[sflag:s19] =	ssyncset.done $0x0  }
0x33: {  	s30 =	ssub.s32 $0x12500, s22;
	s25 =	sor.u32 $0x6500, s22;
	[sflag:s19] =	ssyncadd.s32 $0xFFFF8000  }
0x34: {  	[tilespmem:s23], [sflag:$0x1] =	stream.indirect.gather [spmem:s2], $0x80, s29, s11, $0xb8;
	[tilespmem:$0x16500] =	vst v63  }
0x35: {  	s22 =	sadd.s32 $0x1000, s8;
	s21 =	simm.s32 $0x2;
	s23 =	simm.s32 $0x300  }
0x36: {  	[tilespmem:s30], [sflag:$0x1] =	stream.indirect.gather [spmem:s2], $0x80, s31, s11, $0xb8;
	[tilespmem:$0x16500] =	vst v63  }
.LBB2_2:
0x37: {  	[hbm4b:s24+s3] =	stream.linear.scatter [tilespmem:s25], [sflag:$0x2], $0x8000, $0x38;
	[tilespmem:$0x16500] =	vst v63  }
0x38: {  	s25 =	smov.u32 s21;
	s24 =	smov.u32 s22  }
0x39: {  	p1 =	sne.s32 s21, $0x62;
	s21 =	sadd.s32 $0x1, s21;
	_ =	swait.ge [sflag:s18], $0x4000  }
0x3a: {  	[sflag:s18] =	ssyncset.done $0x0  }
0x3b: {  	[sflag:s18] =	ssyncadd.s32 $0xFFFFC000  }
0x3c: {  	_ =	swait.ge [sflag:s18], $0x4000  }
0x3d: {  	[sflag:s18] =	ssyncset.done $0x0  }
0x3e: {  	[sflag:s18] =	ssyncadd.s32 $0xFFFFC000  }
0x3f: {  	s25 =	sshll.u32 s25, $0xF;
	_ =	swait.ge [sflag:s19], $0x8000  }
0x40: {  	s25 =	sand.u32 $0x8000, s25;
	[sflag:s19] =	ssyncset.done $0x0  }
.Ltmp0:
0x41: {  	s26 =	sxor.u32 $0xE500, s25;
	[sflag:s19] =	ssyncadd.s32 $0xFFFF8000;
	(pc) =	sbr.rel @p1 .LBB2_2-.Ltmp0, $4  }
0x42: {  	[tilespmem:s26], [sflag:$0x1] =	stream.indirect.gather [spmem:s2], $0x80, s23, s11, $0xb8;
	[tilespmem:$0x16500] =	vst v63  }
0x43: {  	s28 =	sadd.s32 $0x80, s23;
	s26 =	ssub.s32 $0x12500, s25  }
0x44: {  	[tilespmem:s26], [sflag:$0x1] =	stream.indirect.gather [spmem:s2], $0x80, s28, s11, $0xb8;
	[tilespmem:$0x16500] =	vst v63  }
0x45: {  	s22 =	sadd.s32 $0x1000, s22;
	s25 =	sor.u32 $0x6500, s25;
	s23 =	sadd.s32 $0x100, s23  }
0x46: {  	[hbm4b:s24+s3] =	stream.linear.scatter [tilespmem:s25], [sflag:$0x2], $0x8000, $0x38;
	[tilespmem:$0x16500] =	vst v63  }
0x47: {  	_ =	swait.ge [sflag:s18], $0x4000  }
0x48: {  	[sflag:s18] =	ssyncset.done $0x0  }
0x49: {  	[sflag:s18] =	ssyncadd.s32 $0xFFFFC000  }
0x4a: {  	_ =	swait.ge [sflag:s18], $0x4000  }
0x4b: {  	[sflag:s18] =	ssyncset.done $0x0  }
0x4c: {  	[sflag:s18] =	ssyncadd.s32 $0xFFFFC000  }
0x4d: {  	s20 =	sadd.s32 $0x1, s20;
	_ =	swait.ge [sflag:s19], $0x8000  }
0x4e: {  	p1 =	sne.s32 s20, s7;
	[sflag:s19] =	ssyncset.done $0x0  }
.Ltmp1:
0x4f: {  	[sflag:s19] =	ssyncadd.s32 $0xFFFF8000;
	(pc) =	sbr.rel @p1 .LBB2_1-.Ltmp1, $4  }
0x50: {  	[hbm4b:s6+s3] =	stream.linear.scatter [tilespmem:s15], [sflag:$0x2], $0x8000, $0x38;
	[tilespmem:$0x16500] =	vst v63  }
0x51: {  	_ =	swait.ge [sflag:s19], $0x8000  }
0x52: {  	[sflag:s19] =	ssyncset.done $0x0  }
0x53: {  	[sflag:s19] =	ssyncadd.s32 $0xFFFF8000  }
0x54: {  	_ =	sfence.sel $0x180000  }
0x55: {  	[bflag:$0x0] =	sbarrier.arrive $0xFFFF  }
0x56: {  	_ =	strace $0x90000047  }
0x57: {  	s0 =	sadd.s32 @!p0 $0x100000, s1;
	[bflag:$0x2] =	sbarrier.arrive $0xFFFF  }
0x58: {  	[sflag:s0] =	ssyncadd.tile.s32 @!p0 $0x1;
	_ =	shalt  }
.Lfunc_end2:
_tile_overlayer_lowered:
.L_overlay_start_2:
0x59: {  	(tag) =	ssettag $0x2  }
0x5a: {  	s0 =	rddreg [dreg:$0x0];
	s2 =	stileid.u32  }
0x5b: {  	s1 =	rddreg [dreg:$0x1];
	p0 =	sne.s32 s2, $0x0  }
0x5c: {  	s3 =	rddreg [dreg:$0x2];
	[bflag:$0x3] =	sbarrier.arrive $0xFFFF;
	s2 =	simm.s32 @!p0 $0x1C03  }
0x5d: {  	[timem:s3], [sflag:s2] =	dma.local @!p0 [hbm:s0], s1  }
0x5e: {  	s0 =	simm.s32 @!p0 $0x3  }
0x5f: {  	_ =	swait.ge @!p0 [sflag:s0], s1  }
0x60: {  	s1 =	ssub.s32 @!p0 $0x0, s1;
	[sflag:s0] =	ssyncset.done @!p0 $0x0  }
0x61: {  	[sflag:s0] =	ssyncadd.s32 @!p0 s1  }
0x62: {  	[bflag:$0x3] =	sbarrier.arrive $0xFFFF  }
0x63: {  	_ =	shalt  }

</sc_bundles>
